<compile_context>
chip_gen: v7x
topology: tpu7x:2x2x1
jax: 0.10.2.dev20260603
libtpu: 0.0.44.dev20260713+nightly
codegen_flags: <defaults>
</compile_context>

<pallas_src>
import functools

import jax
import jax.numpy as jnp
from jax import lax
from jax.experimental import pallas as pl
from jax.experimental.pallas import tpu as pltpu
from jax.experimental.pallas import tpu_sc as plsc

B = 4096
L = 200
D = 128
N = B * L
NC = 2
NS = 16
NW = NC * NS
PER_W = N // NW
CHUNK = 200
NCHUNK = PER_W // CHUNK
NPAIR = NCHUNK // 2

_mesh = plsc.VectorSubcoreMesh(core_axis_name="c", subcore_axis_name="s")


@functools.partial(
    pl.kernel,
    mesh=_mesh,
    out_type=jax.ShapeDtypeStruct((N, D), jnp.float32),
    scratch_types=[
        pltpu.VMEM((PER_W,), jnp.int32),
        pltpu.VMEM((CHUNK, D), jnp.float32),
        pltpu.VMEM((CHUNK, D), jnp.float32),
        pltpu.VMEM_SHARED((NS * CHUNK, D), jnp.float32),
        pltpu.VMEM_SHARED((NS * CHUNK, D), jnp.float32),
        pltpu.SemaphoreType.DMA,
        pltpu.SemaphoreType.DMA,
        pltpu.SemaphoreType.DMA,
        pltpu.SemaphoreType.DMA,
    ],
)
def _gather_kernel(idx_hbm, table_hbm, out_hbm, idx_v,
                   b0, b1, sp0, sp1, gs0, gs1, w0, w1):
    sid = lax.axis_index("s")
    wid = sid * NC + lax.axis_index("c")
    base = wid * PER_W
    srow = sid * CHUNK
    s0 = sp0.at[pl.ds(srow, CHUNK)]
    s1 = sp1.at[pl.ds(srow, CHUNK)]
    pltpu.sync_copy(idx_hbm.at[pl.ds(base, PER_W)], idx_v)
    pltpu.async_copy(table_hbm.at[idx_v.at[pl.ds(0, CHUNK)]], b0, gs0)

    def body(j, carry):
        g0 = j * 2
        pltpu.async_copy(
            table_hbm.at[idx_v.at[pl.ds((g0 + 1) * CHUNK, CHUNK)]], b1, gs1)
        pltpu.make_async_copy(
            table_hbm.at[idx_v.at[pl.ds(g0 * CHUNK, CHUNK)]], b0, gs0).wait()

        @pl.when(j > 0)
        def _():
            pltpu.make_async_copy(
                s0, out_hbm.at[pl.ds(base + (g0 - 2) * CHUNK, CHUNK)], w0).wait()

        pltpu.sync_copy(b0, s0)
        pltpu.async_copy(s0, out_hbm.at[pl.ds(base + g0 * CHUNK, CHUNK)], w0)

        @pl.when(j + 1 < NPAIR)
        def _():
            pltpu.async_copy(
                table_hbm.at[idx_v.at[pl.ds((g0 + 2) * CHUNK, CHUNK)]], b0, gs0)

        pltpu.make_async_copy(
            table_hbm.at[idx_v.at[pl.ds((g0 + 1) * CHUNK, CHUNK)]], b1, gs1).wait()

        @pl.when(j > 0)
        def _():
            pltpu.make_async_copy(
                s1, out_hbm.at[pl.ds(base + (g0 - 1) * CHUNK, CHUNK)], w1).wait()

        pltpu.sync_copy(b1, s1)
        pltpu.async_copy(s1, out_hbm.at[pl.ds(base + (g0 + 1) * CHUNK, CHUNK)], w1)
        return carry

    lax.fori_loop(0, NPAIR, body, 0)
    g_last = (NPAIR - 1) * 2
    pltpu.make_async_copy(
        s0, out_hbm.at[pl.ds(base + g_last * CHUNK, CHUNK)], w0).wait()
    pltpu.make_async_copy(
        s1, out_hbm.at[pl.ds(base + (g_last + 1) * CHUNK, CHUNK)], w1).wait()


def kernel(x, table):
    out = _gather_kernel(x.reshape(-1), table)
    return out.reshape(B, L, D)

# --- scband reference (transcript-rebuilt; emitter-appended) ---
"""Pipeline reference for scband-embedder-85418309583252 (READ-ONLY COPY).

The authoritative reference and input builder live on the scoring server;
editing this copy changes nothing except your own understanding.
"""

import jax, jax.numpy as jnp
import numpy as np

VOCAB = 1000000
D_MODEL = 128
B = 4096
L = 200

def setup_inputs(seed: int = 0) -> dict:
    key = jax.random.key(seed)
    k1, k2 = jax.random.split(key)
    x = jax.random.randint(k1, (B, L), 0, VOCAB, dtype=jnp.int64) if jax.config.jax_enable_x64 else jax.random.randint(k1, (B, L), 0, VOCAB, dtype=jnp.int32)
    table = jax.random.normal(k2, (VOCAB, D_MODEL), dtype=jnp.float32)
    return {"x": x, "table": table}

def reference(x, table):
    # nn.Embedding forward: gather rows of the embedding table
    return jnp.take(table, x, axis=0)

if __name__ == "__main__":
    import jax
    _d = setup_inputs()
    print(jax.jit(kernel)(*tuple(_d.values())))

</pallas_src>

<mosaic_0001>
#map = affine_map<(d0, d1) -> (0)>
#map1 = affine_map<(d0, d1) -> (0, 0)>
module attributes {stable_mosaic.version = 14 : i64} {
  func.func @_gather_kernel(%arg0: i32, %arg1: i32, %arg2: memref<819200xi32, #tpu.memory_space<hbm>>, %arg3: memref<1000000x128xf32, #tpu.memory_space<hbm>>, %arg4: memref<819200x128xf32, #tpu.memory_space<hbm>>, %arg5: memref<25600xi32, #tpu.memory_space<vmem>>, %arg6: memref<200x128xf32, #tpu.memory_space<vmem>>, %arg7: memref<200x128xf32, #tpu.memory_space<vmem>>, %arg8: memref<3200x128xf32, #tpu.memory_space<vmem_shared>>, %arg9: memref<3200x128xf32, #tpu.memory_space<vmem_shared>>, %arg10: memref<!tpu.dma_semaphore, #tpu.memory_space<semaphore_mem>>, %arg11: memref<!tpu.dma_semaphore, #tpu.memory_space<semaphore_mem>>, %arg12: memref<!tpu.dma_semaphore, #tpu.memory_space<semaphore_mem>>, %arg13: memref<!tpu.dma_semaphore, #tpu.memory_space<semaphore_mem>>) attributes {dimension_semantics = [#tpu.dimension_semantics<core_parallel>, #tpu.dimension_semantics<subcore_parallel>], iteration_bounds = array<i64: 2, 16>, scalar_prefetch = 0 : i64, scratch_operands = 9 : i64, tpu.core_type = #tpu.core_type<sc_vector_subcore>, window_params = [{transform_indices = #map}, {transform_indices = #map1}, {transform_indices = #map1}]} {
    %mul3A = arith.constant 2 : i32
    %mul3A_0 = arith.muli %arg1, %mul3A : i32
    %add3A = arith.addi %mul3A_0, %arg0 : i32
    %mul3A_1 = arith.constant 25600 : i32
    %mul3A_2 = arith.muli %add3A, %mul3A_1 : i32
    %mul3A_3 = arith.constant 200 : i32
    %mul3A_4 = arith.muli %arg1, %mul3A_3 : i32
    "tpu.region"() ({
      %run_scoped3A = tpu.sem_alloc : memref<!tpu.dma_semaphore, #tpu.memory_space<semaphore_mem>>
      %dma_start3A_25 = tpu.memref_slice %arg2[%mul3A_2] : memref<819200xi32, #tpu.memory_space<hbm>> -> memref<25600xi32, #tpu.memory_space<hbm>>
      %dma_start3A_26 = tpu.memref_slice %arg2[%mul3A_2] : memref<819200xi32, #tpu.memory_space<hbm>> -> memref<25600xi32, #tpu.memory_space<hbm>>
      tpu.enqueue_dma source(%dma_start3A_26 : memref<25600xi32, #tpu.memory_space<hbm>>) target(%arg5 : memref<25600xi32, #tpu.memory_space<vmem>>) target_semaphore(%run_scoped3A : memref<!tpu.dma_semaphore, #tpu.memory_space<semaphore_mem>>)
      %dma_wait3A_27 = tpu.memref_slice %arg2[%mul3A_2] : memref<819200xi32, #tpu.memory_space<hbm>> -> memref<25600xi32, #tpu.memory_space<hbm>>
      %dma_wait3A_28 = tpu.memref_slice %arg2[%mul3A_2] : memref<819200xi32, #tpu.memory_space<hbm>> -> memref<25600xi32, #tpu.memory_space<hbm>>
      tpu.wait_dma2 semaphore(%run_scoped3A : memref<!tpu.dma_semaphore, #tpu.memory_space<semaphore_mem>>) src(%dma_wait3A_28 : memref<25600xi32, #tpu.memory_space<hbm>>) dst(%arg5 : memref<25600xi32, #tpu.memory_space<vmem>>)
      tpu.yield
    }) : () -> ()
    %dma_start3A = arith.constant 0 : i32
    %dma_start3A_5 = tpu.memref_slice %arg5[%dma_start3A] : memref<25600xi32, #tpu.memory_space<vmem>> -> memref<200xi32, #tpu.memory_space<vmem>>
    %dma_start3A_6 = arith.constant 0 : i32
    %dma_start3A_7 = arith.constant 0 : i32
    %dma_start3A_8 = tpu.memref_slice %arg3[%dma_start3A_6, %dma_start3A_7] : memref<1000000x128xf32, #tpu.memory_space<hbm>> -> memref<1000000x128xf32, #tpu.memory_space<hbm>>
    tpu.enqueue_indirect_dma source(%dma_start3A_8 : memref<1000000x128xf32, #tpu.memory_space<hbm>>) target(%arg6 : memref<200x128xf32, #tpu.memory_space<vmem>>) offsets(%dma_start3A_5 : memref<200xi32, #tpu.memory_space<vmem>>) semaphore(%arg10 : memref<!tpu.dma_semaphore, #tpu.memory_space<semaphore_mem>>)
    %scan3A = arith.constant 0 : i32
    %scan3A_9 = arith.constant 0 : i32
    %scan3A_10 = arith.constant 64 : i32
    %scan3A_11 = arith.addi %scan3A_9, %scan3A_10 : i32
    %scan3A_12 = arith.constant 1 : i32
    scf.for %scan3A_25 = %scan3A_9 to %scan3A_11 step %scan3A_12  : i32 {
      %mul3A_26 = arith.constant 2 : i32
      %mul3A_27 = arith.muli %scan3A_25, %mul3A_26 : i32
      %add3A_28 = arith.constant 1 : i32
      %add3A_29 = arith.addi %mul3A_27, %add3A_28 : i32
      %mul3A_30 = arith.constant 200 : i32
      %mul3A_31 = arith.muli %add3A_29, %mul3A_30 : i32
      %dma_start3A_32 = tpu.memref_slice %arg5[%mul3A_31] : memref<25600xi32, #tpu.memory_space<vmem>> -> memref<200xi32, #tpu.memory_space<vmem>>
      %dma_start3A_33 = arith.constant 0 : i32
      %dma_start3A_34 = arith.constant 0 : i32
      %dma_start3A_35 = tpu.memref_slice %arg3[%dma_start3A_33, %dma_start3A_34] : memref<1000000x128xf32, #tpu.memory_space<hbm>> -> memref<1000000x128xf32, #tpu.memory_space<hbm>>
      tpu.enqueue_indirect_dma source(%dma_start3A_35 : memref<1000000x128xf32, #tpu.memory_space<hbm>>) target(%arg7 : memref<200x128xf32, #tpu.memory_space<vmem>>) offsets(%dma_start3A_32 : memref<200xi32, #tpu.memory_space<vmem>>) semaphore(%arg11 : memref<!tpu.dma_semaphore, #tpu.memory_space<semaphore_mem>>)
      %mul3A_36 = arith.constant 200 : i32
      %mul3A_37 = arith.muli %mul3A_27, %mul3A_36 : i32
      %dma_wait3A_38 = tpu.memref_slice %arg5[%mul3A_37] : memref<25600xi32, #tpu.memory_space<vmem>> -> memref<200xi32, #tpu.memory_space<vmem>>
      %dma_wait3A_39 = arith.constant 0 : i32
      %dma_wait3A_40 = arith.constant 0 : i32
      %dma_wait3A_41 = tpu.memref_slice %arg3[%dma_wait3A_39, %dma_wait3A_40] : memref<1000000x128xf32, #tpu.memory_space<hbm>> -> memref<1000000x128xf32, #tpu.memory_space<hbm>>
      tpu.wait_indirect_dma semaphore(%arg10 : memref<!tpu.dma_semaphore, #tpu.memory_space<semaphore_mem>>) src(%dma_wait3A_41 : memref<1000000x128xf32, #tpu.memory_space<hbm>>) dst(%arg6 : memref<200x128xf32, #tpu.memory_space<vmem>>)
      %gt3A = arith.constant 0 : i32
      %gt3A_42 = arith.cmpi sgt, %scan3A_25, %gt3A : i32
      %convert_element_type3A = arith.extui %gt3A_42 : i1 to i32
      %cond3A = arith.constant 0 : i32
      %cond3A_43 = arith.cmpi ne, %convert_element_type3A, %cond3A : i32
      scf.if %cond3A_43 {
        %sub3A = arith.constant 2 : i32
        %sub3A_79 = arith.subi %mul3A_27, %sub3A : i32
        %mul3A_80 = arith.constant 200 : i32
        %mul3A_81 = arith.muli %sub3A_79, %mul3A_80 : i32
        %add3A_82 = arith.addi %mul3A_2, %mul3A_81 : i32
        %dma_wait3A_83 = arith.constant 0 : i32
        %dma_wait3A_84 = tpu.memref_slice %arg4[%add3A_82, %dma_wait3A_83] : memref<819200x128xf32, #tpu.memory_space<hbm>> -> memref<200x128xf32, #tpu.memory_space<hbm>>
        %dma_wait3A_85 = arith.constant 0 : i32
        %dma_wait3A_86 = tpu.memref_slice %arg8[%mul3A_4, %dma_wait3A_85] : memref<3200x128xf32, #tpu.memory_space<vmem_shared>> -> memref<200x128xf32, #tpu.memory_space<vmem_shared>>
        tpu.wait_dma2 semaphore(%arg12 : memref<!tpu.dma_semaphore, #tpu.memory_space<semaphore_mem>>) src(%dma_wait3A_86 : memref<200x128xf32, #tpu.memory_space<vmem_shared>>) dst(%dma_wait3A_84 : memref<200x128xf32, #tpu.memory_space<hbm>>)
      } else {
      }
      "tpu.region"() ({
        %run_scoped3A = tpu.sem_alloc : memref<!tpu.dma_semaphore, #tpu.memory_space<semaphore_mem>>
        %dma_start3A_79 = arith.constant 0 : i32
        %dma_start3A_80 = tpu.memref_slice %arg8[%mul3A_4, %dma_start3A_79] : memref<3200x128xf32, #tpu.memory_space<vmem_shared>> -> memref<200x128xf32, #tpu.memory_space<vmem_shared>>
        %dma_start3A_81 = arith.constant 0 : i32
        %dma_start3A_82 = tpu.memref_slice %arg8[%mul3A_4, %dma_start3A_81] : memref<3200x128xf32, #tpu.memory_space<vmem_shared>> -> memref<200x128xf32, #tpu.memory_space<vmem_shared>>
        tpu.enqueue_dma source(%arg6 : memref<200x128xf32, #tpu.memory_space<vmem>>) target(%dma_start3A_82 : memref<200x128xf32, #tpu.memory_space<vmem_shared>>) target_semaphore(%run_scoped3A : memref<!tpu.dma_semaphore, #tpu.memory_space<semaphore_mem>>)
        %dma_wait3A_83 = arith.constant 0 : i32
        %dma_wait3A_84 = tpu.memref_slice %arg8[%mul3A_4, %dma_wait3A_83] : memref<3200x128xf32, #tpu.memory_space<vmem_shared>> -> memref<200x128xf32, #tpu.memory_space<vmem_shared>>
        %dma_wait3A_85 = arith.constant 0 : i32
        %dma_wait3A_86 = tpu.memref_slice %arg8[%mul3A_4, %dma_wait3A_85] : memref<3200x128xf32, #tpu.memory_space<vmem_shared>> -> memref<200x128xf32, #tpu.memory_space<vmem_shared>>
        tpu.wait_dma2 semaphore(%run_scoped3A : memref<!tpu.dma_semaphore, #tpu.memory_space<semaphore_mem>>) src(%arg6 : memref<200x128xf32, #tpu.memory_space<vmem>>) dst(%dma_wait3A_86 : memref<200x128xf32, #tpu.memory_space<vmem_shared>>)
        tpu.yield
      }) : () -> ()
      %mul3A_44 = arith.constant 200 : i32
      %mul3A_45 = arith.muli %mul3A_27, %mul3A_44 : i32
      %add3A_46 = arith.addi %mul3A_2, %mul3A_45 : i32
      %dma_start3A_47 = arith.constant 0 : i32
      %dma_start3A_48 = tpu.memref_slice %arg4[%add3A_46, %dma_start3A_47] : memref<819200x128xf32, #tpu.memory_space<hbm>> -> memref<200x128xf32, #tpu.memory_space<hbm>>
      %dma_start3A_49 = arith.constant 0 : i32
      %dma_start3A_50 = tpu.memref_slice %arg8[%mul3A_4, %dma_start3A_49] : memref<3200x128xf32, #tpu.memory_space<vmem_shared>> -> memref<200x128xf32, #tpu.memory_space<vmem_shared>>
      tpu.enqueue_dma source(%dma_start3A_50 : memref<200x128xf32, #tpu.memory_space<vmem_shared>>) target(%dma_start3A_48 : memref<200x128xf32, #tpu.memory_space<hbm>>) target_semaphore(%arg12 : memref<!tpu.dma_semaphore, #tpu.memory_space<semaphore_mem>>)
      %add3A_51 = arith.constant 1 : i32
      %add3A_52 = arith.addi %scan3A_25, %add3A_51 : i32
      %lt3A = arith.constant 64 : i32
      %lt3A_53 = arith.cmpi slt, %add3A_52, %lt3A : i32
      %convert_element_type3A_54 = arith.extui %lt3A_53 : i1 to i32
      %cond3A_55 = arith.constant 0 : i32
      %cond3A_56 = arith.cmpi ne, %convert_element_type3A_54, %cond3A_55 : i32
      scf.if %cond3A_56 {
        %add3A_79 = arith.constant 2 : i32
        %add3A_80 = arith.addi %mul3A_27, %add3A_79 : i32
        %mul3A_81 = arith.constant 200 : i32
        %mul3A_82 = arith.muli %add3A_80, %mul3A_81 : i32
        %dma_start3A_83 = tpu.memref_slice %arg5[%mul3A_82] : memref<25600xi32, #tpu.memory_space<vmem>> -> memref<200xi32, #tpu.memory_space<vmem>>
        %dma_start3A_84 = arith.constant 0 : i32
        %dma_start3A_85 = arith.constant 0 : i32
        %dma_start3A_86 = tpu.memref_slice %arg3[%dma_start3A_84, %dma_start3A_85] : memref<1000000x128xf32, #tpu.memory_space<hbm>> -> memref<1000000x128xf32, #tpu.memory_space<hbm>>
        tpu.enqueue_indirect_dma source(%dma_start3A_86 : memref<1000000x128xf32, #tpu.memory_space<hbm>>) target(%arg6 : memref<200x128xf32, #tpu.memory_space<vmem>>) offsets(%dma_start3A_83 : memref<200xi32, #tpu.memory_space<vmem>>) semaphore(%arg10 : memref<!tpu.dma_semaphore, #tpu.memory_space<semaphore_mem>>)
      } else {
      }
      %add3A_57 = arith.constant 1 : i32
      %add3A_58 = arith.addi %mul3A_27, %add3A_57 : i32
      %mul3A_59 = arith.constant 200 : i32
      %mul3A_60 = arith.muli %add3A_58, %mul3A_59 : i32
      %dma_wait3A_61 = tpu.memref_slice %arg5[%mul3A_60] : memref<25600xi32, #tpu.memory_space<vmem>> -> memref<200xi32, #tpu.memory_space<vmem>>
      %dma_wait3A_62 = arith.constant 0 : i32
      %dma_wait3A_63 = arith.constant 0 : i32
      %dma_wait3A_64 = tpu.memref_slice %arg3[%dma_wait3A_62, %dma_wait3A_63] : memref<1000000x128xf32, #tpu.memory_space<hbm>> -> memref<1000000x128xf32, #tpu.memory_space<hbm>>
      tpu.wait_indirect_dma semaphore(%arg11 : memref<!tpu.dma_semaphore, #tpu.memory_space<semaphore_mem>>) src(%dma_wait3A_64 : memref<1000000x128xf32, #tpu.memory_space<hbm>>) dst(%arg7 : memref<200x128xf32, #tpu.memory_space<vmem>>)
      %gt3A_65 = arith.constant 0 : i32
      %gt3A_66 = arith.cmpi sgt, %scan3A_25, %gt3A_65 : i32
      %convert_element_type3A_67 = arith.extui %gt3A_66 : i1 to i32
      %cond3A_68 = arith.constant 0 : i32
      %cond3A_69 = arith.cmpi ne, %convert_element_type3A_67, %cond3A_68 : i32
      scf.if %cond3A_69 {
        %sub3A = arith.constant 1 : i32
        %sub3A_79 = arith.subi %mul3A_27, %sub3A : i32
        %mul3A_80 = arith.constant 200 : i32
        %mul3A_81 = arith.muli %sub3A_79, %mul3A_80 : i32
        %add3A_82 = arith.addi %mul3A_2, %mul3A_81 : i32
        %dma_wait3A_83 = arith.constant 0 : i32
        %dma_wait3A_84 = tpu.memref_slice %arg4[%add3A_82, %dma_wait3A_83] : memref<819200x128xf32, #tpu.memory_space<hbm>> -> memref<200x128xf32, #tpu.memory_space<hbm>>
        %dma_wait3A_85 = arith.constant 0 : i32
        %dma_wait3A_86 = tpu.memref_slice %arg9[%mul3A_4, %dma_wait3A_85] : memref<3200x128xf32, #tpu.memory_space<vmem_shared>> -> memref<200x128xf32, #tpu.memory_space<vmem_shared>>
        tpu.wait_dma2 semaphore(%arg13 : memref<!tpu.dma_semaphore, #tpu.memory_space<semaphore_mem>>) src(%dma_wait3A_86 : memref<200x128xf32, #tpu.memory_space<vmem_shared>>) dst(%dma_wait3A_84 : memref<200x128xf32, #tpu.memory_space<hbm>>)
      } else {
      }
      "tpu.region"() ({
        %run_scoped3A = tpu.sem_alloc : memref<!tpu.dma_semaphore, #tpu.memory_space<semaphore_mem>>
        %dma_start3A_79 = arith.constant 0 : i32
        %dma_start3A_80 = tpu.memref_slice %arg9[%mul3A_4, %dma_start3A_79] : memref<3200x128xf32, #tpu.memory_space<vmem_shared>> -> memref<200x128xf32, #tpu.memory_space<vmem_shared>>
        %dma_start3A_81 = arith.constant 0 : i32
        %dma_start3A_82 = tpu.memref_slice %arg9[%mul3A_4, %dma_start3A_81] : memref<3200x128xf32, #tpu.memory_space<vmem_shared>> -> memref<200x128xf32, #tpu.memory_space<vmem_shared>>
        tpu.enqueue_dma source(%arg7 : memref<200x128xf32, #tpu.memory_space<vmem>>) target(%dma_start3A_82 : memref<200x128xf32, #tpu.memory_space<vmem_shared>>) target_semaphore(%run_scoped3A : memref<!tpu.dma_semaphore, #tpu.memory_space<semaphore_mem>>)
        %dma_wait3A_83 = arith.constant 0 : i32
        %dma_wait3A_84 = tpu.memref_slice %arg9[%mul3A_4, %dma_wait3A_83] : memref<3200x128xf32, #tpu.memory_space<vmem_shared>> -> memref<200x128xf32, #tpu.memory_space<vmem_shared>>
        %dma_wait3A_85 = arith.constant 0 : i32
        %dma_wait3A_86 = tpu.memref_slice %arg9[%mul3A_4, %dma_wait3A_85] : memref<3200x128xf32, #tpu.memory_space<vmem_shared>> -> memref<200x128xf32, #tpu.memory_space<vmem_shared>>
        tpu.wait_dma2 semaphore(%run_scoped3A : memref<!tpu.dma_semaphore, #tpu.memory_space<semaphore_mem>>) src(%arg7 : memref<200x128xf32, #tpu.memory_space<vmem>>) dst(%dma_wait3A_86 : memref<200x128xf32, #tpu.memory_space<vmem_shared>>)
        tpu.yield
      }) : () -> ()
      %add3A_70 = arith.constant 1 : i32
      %add3A_71 = arith.addi %mul3A_27, %add3A_70 : i32
      %mul3A_72 = arith.constant 200 : i32
      %mul3A_73 = arith.muli %add3A_71, %mul3A_72 : i32
      %add3A_74 = arith.addi %mul3A_2, %mul3A_73 : i32
      %dma_start3A_75 = arith.constant 0 : i32
      %dma_start3A_76 = tpu.memref_slice %arg4[%add3A_74, %dma_start3A_75] : memref<819200x128xf32, #tpu.memory_space<hbm>> -> memref<200x128xf32, #tpu.memory_space<hbm>>
      %dma_start3A_77 = arith.constant 0 : i32
      %dma_start3A_78 = tpu.memref_slice %arg9[%mul3A_4, %dma_start3A_77] : memref<3200x128xf32, #tpu.memory_space<vmem_shared>> -> memref<200x128xf32, #tpu.memory_space<vmem_shared>>
      tpu.enqueue_dma source(%dma_start3A_78 : memref<200x128xf32, #tpu.memory_space<vmem_shared>>) target(%dma_start3A_76 : memref<200x128xf32, #tpu.memory_space<hbm>>) target_semaphore(%arg13 : memref<!tpu.dma_semaphore, #tpu.memory_space<semaphore_mem>>)
    }
    %scan3A_13 = arith.constant 64 : i32
    %add3A_14 = arith.constant 25200 : i32
    %add3A_15 = arith.addi %mul3A_2, %add3A_14 : i32
    %dma_wait3A = arith.constant 0 : i32
    %dma_wait3A_16 = tpu.memref_slice %arg4[%add3A_15, %dma_wait3A] : memref<819200x128xf32, #tpu.memory_space<hbm>> -> memref<200x128xf32, #tpu.memory_space<hbm>>
    %dma_wait3A_17 = arith.constant 0 : i32
    %dma_wait3A_18 = tpu.memref_slice %arg8[%mul3A_4, %dma_wait3A_17] : memref<3200x128xf32, #tpu.memory_space<vmem_shared>> -> memref<200x128xf32, #tpu.memory_space<vmem_shared>>
    tpu.wait_dma2 semaphore(%arg12 : memref<!tpu.dma_semaphore, #tpu.memory_space<semaphore_mem>>) src(%dma_wait3A_18 : memref<200x128xf32, #tpu.memory_space<vmem_shared>>) dst(%dma_wait3A_16 : memref<200x128xf32, #tpu.memory_space<hbm>>)
    %add3A_19 = arith.constant 25400 : i32
    %add3A_20 = arith.addi %mul3A_2, %add3A_19 : i32
    %dma_wait3A_21 = arith.constant 0 : i32
    %dma_wait3A_22 = tpu.memref_slice %arg4[%add3A_20, %dma_wait3A_21] : memref<819200x128xf32, #tpu.memory_space<hbm>> -> memref<200x128xf32, #tpu.memory_space<hbm>>
    %dma_wait3A_23 = arith.constant 0 : i32
    %dma_wait3A_24 = tpu.memref_slice %arg9[%mul3A_4, %dma_wait3A_23] : memref<3200x128xf32, #tpu.memory_space<vmem_shared>> -> memref<200x128xf32, #tpu.memory_space<vmem_shared>>
    tpu.wait_dma2 semaphore(%arg13 : memref<!tpu.dma_semaphore, #tpu.memory_space<semaphore_mem>>) src(%dma_wait3A_24 : memref<200x128xf32, #tpu.memory_space<vmem_shared>>) dst(%dma_wait3A_22 : memref<200x128xf32, #tpu.memory_space<hbm>>)
    return
  }
}

</mosaic_0001>

<sc_bundles>
// kernel: kernel.3.cloned.1.call-start
scs
__scs_entry_jumppad:
0x0: {  	(pc) =	sbr.rel $0x88, $3  }
0x1: {  	(tag) =	ssettag $0x0;
	lr =	simm.s32 $0x1  }
0x2: {  	[smem:$0x3F9F] =	sst lr;
	_ =	strace $0xD0000000  }
0x3: {  	_ = 	snop  }
0x4: {  	_ = 	snop  }
0x5: {  	_ = 	snop  }
0x6: {  	_ = 	snop  }
0x7: {  	_ = 	snop  }
__scs_overlays_trampoline_lowered:
0x8: {  	[smem:$0x3FAE] =	sst s0  }
0x9: {  	[smem:$0x3FAF] =	sst s1  }
0xa: {  	[smem:$0x3FB0] =	sst s2  }
0xb: {  	[smem:$0x3FB1] =	sst s3  }
0xc: {  	[smem:$0x3FB2] =	sst s4  }
0xd: {  	[smem:$0x3FB3] =	sst s5  }
0xe: {  	[smem:$0x3FB4] =	sst s6  }
0xf: {  	[smem:$0x3FB5] =	sst s7  }
0x10: {  	[smem:$0x3FB6] =	sst s8  }
0x11: {  	[smem:$0x3FB7] =	sst s9;
	s0 =	simm.s32 @!p0 $0x0  }
0x12: {  	s1 =	sld [smem:$0x3F9D];
	s0 =	simm.s32 @p0 $0x1  }
0x13: {  	[smem:$0x3FB8] =	sst s0;
	s0 =	simm.s32 @!p1 $0x0  }
0x14: {  	s2 =	sld [smem:$0x3F9C];
	s0 =	simm.s32 @p1 $0x1  }
0x15: {  	[smem:$0x3FB9] =	sst s0;
	s0 =	simm.s32 @!p2 $0x0  }
0x16: {  	s3 =	sld [smem:$0x3FDB];
	s0 =	simm.s32 @p2 $0x1  }
0x17: {  	s4 =	simm.s32 $0x1BF5;
	[smem:$0x3FBB] =	sst s0  }
0x18: {  	s0 =	sld [smem:$0x3F9E];
	_ =	swait.ge [sflag:s4], $0x0  }
0x19: {  	s7 =	sld [smem:$0x3F9F]  }
0x1a: {  	s8 =	sadd.s32 $0xFFFFE003, lr  }
0x1b: {  	s9 =	sadd.s32 $0xFFFFFEF7, lr;
	s5 =	simm.s32 $0xFFFFFFFF;
	p2 =	slt.u32 s8, $0xFFFFF086  }
0x1c: {  	p1 =	slt.u32 s9, $0xF7A;
	s5 =	simm.s32 @!p2 $0x0  }
0x1d: {  	s5 =	simm.s32 @p1 $0x1;
	p0 =	seq.s32 s7, s2  }
0x1e: {  	s7 =	smul.u32 @!p0 $0xF7A, s2;
	p2 =	seq.s32 @!p0 s5, $0x0  }
0x1f: {  	s9 =	smul.u32 $0xF7A, s1;
	s8 =	simm.s32 @!p0 $0x1BF5;
	p2 =	por !p2, p0  }
0x20: {  	[sflag:s8] =	ssyncset.s32 @!p0 $0xFFFFF086;
	s6 =	sadd.s32 @!p0 s3, s7;
	s7 =	simm.s32 @!p0 $0x108  }
0x21: {  	s3 =	sadd.s32 s3, s9;
	s6 =	sadd.s32 @!p0 $0x88, s6;
	s7 =	simm.s32 @p2 $0x1082  }
0x22: {  	[simem:s7], [sflag:s8] =	dma.local @!p0 [hbm:s6], $0xF7A  }
0x23: {  	s9 =	sor.u32 $0xD0000000, s2;
	s6 =	simm.s32 $0x108;
	_ =	swait.ge @!p0 [sflag:s8], $0x0  }
0x24: {  	s3 =	sadd.s32 $0x88, s3;
	s6 =	simm.s32 @!p1 $0x1082;
	[sflag:s4] =	ssyncset.s32 $0xFFFFF086  }
0x25: {  	[simem:s6], [sflag:s4] =	dma.local [hbm:s3], $0xF7A  }
0x26: {  	[smem:$0x3F9F] =	sst s1;
	(tag) =	ssettag s2;
	_ =	strace s9  }
0x27: {  	s1 =	sld [smem:$0x3FAF]  }
0x28: {  	s2 =	sld [smem:$0x3FB0]  }
0x29: {  	s4 =	sld [smem:$0x3FB2]  }
0x2a: {  	p0 =	seq.s32 s5, $0x0;
	s5 =	sld [smem:$0x3FB3]  }
0x2b: {  	s6 =	sld [smem:$0x3FB4]  }
0x2c: {  	s7 =	sld [smem:$0x3FB5]  }
0x2d: {  	s3 =	simm.s32 $0x108;
	s8 =	sld [smem:$0x3FB6]  }
0x2e: {  	s3 =	simm.s32 @!p0 $0x1082;
	s9 =	sld [smem:$0x3FB7]  }
0x2f: {  	lr =	sadd.s32 s0, s3;
	s0 =	sld [smem:$0x3FAE]  }
0x30: {  	s3 =	sld [smem:$0x3FB1]  }
0x31: {  	[smem:$0x3FBA] =	sst s10  }
0x32: {  	s10 =	sld [smem:$0x3FB8];
	_ =	sdelay $0x3  }
0x33: {  	p0 =	seq.s32 s10, $0x1;
	s10 =	sld [smem:$0x3FBA];
	_ =	sdelay $0x3  }
0x34: {  	[smem:$0x3FBA] =	sst s10  }
0x35: {  	s10 =	sld [smem:$0x3FB9];
	_ =	sdelay $0x3  }
0x36: {  	p1 =	seq.s32 s10, $0x1;
	s10 =	sld [smem:$0x3FBA];
	_ =	sdelay $0x3  }
0x37: {  	[smem:$0x3FBA] =	sst s10  }
0x38: {  	s10 =	sld [smem:$0x3FBB]  }
0x39: {  	_ = 	snop;
	(pc) =	sbr.ind lr, $3  }
0x3a: {  	_ = 	snop  }
0x3b: {  	_ = 	snop  }
0x3c: {  	p2 =	seq.s32 s10, $0x1;
	s10 =	sld [smem:$0x3FBA]  }
0x3d: {  	_ =	shalt  }
0x3e: {  	_ =	shalt  }
0x3f: {  	_ =	shalt  }
0x40: {  	_ =	shalt  }
0x41: {  	_ =	shalt  }
0x42: {  	_ =	shalt  }
0x43: {  	_ =	shalt  }
0x44: {  	_ =	shalt  }
0x45: {  	_ =	shalt  }
0x46: {  	_ =	shalt  }
0x47: {  	_ =	shalt  }
0x48: {  	_ =	shalt  }
0x49: {  	_ =	shalt  }
0x4a: {  	_ =	shalt  }
0x4b: {  	_ =	shalt  }
0x4c: {  	_ =	shalt  }
0x4d: {  	_ =	shalt  }
0x4e: {  	_ =	shalt  }
0x4f: {  	_ =	shalt  }
0x50: {  	_ =	shalt  }
0x51: {  	_ =	shalt  }
0x52: {  	_ =	shalt  }
0x53: {  	_ =	shalt  }
0x54: {  	_ =	shalt  }
0x55: {  	_ =	shalt  }
0x56: {  	_ =	shalt  }
0x57: {  	_ =	shalt  }
0x58: {  	_ =	shalt  }
0x59: {  	_ =	shalt  }
0x5a: {  	_ =	shalt  }
0x5b: {  	_ =	shalt  }
0x5c: {  	_ =	shalt  }
0x5d: {  	_ =	shalt  }
0x5e: {  	_ =	shalt  }
0x5f: {  	_ =	shalt  }
0x60: {  	_ =	shalt  }
0x61: {  	_ =	shalt  }
0x62: {  	_ =	shalt  }
0x63: {  	_ =	shalt  }
0x64: {  	_ =	shalt  }
0x65: {  	_ =	shalt  }
0x66: {  	_ =	shalt  }
0x67: {  	_ =	shalt  }
0x68: {  	_ =	shalt  }
0x69: {  	_ =	shalt  }
0x6a: {  	_ =	shalt  }
0x6b: {  	_ =	shalt  }
0x6c: {  	_ =	shalt  }
0x6d: {  	_ =	shalt  }
0x6e: {  	_ =	shalt  }
0x6f: {  	_ =	shalt  }
0x70: {  	_ =	shalt  }
0x71: {  	_ =	shalt  }
0x72: {  	_ =	shalt  }
0x73: {  	_ =	shalt  }
0x74: {  	_ =	shalt  }
0x75: {  	_ =	shalt  }
0x76: {  	_ =	shalt  }
0x77: {  	_ =	shalt  }
0x78: {  	_ =	shalt  }
0x79: {  	_ =	shalt  }
0x7a: {  	_ =	shalt  }
0x7b: {  	_ =	shalt  }
0x7c: {  	_ =	shalt  }
0x7d: {  	_ =	shalt  }
0x7e: {  	_ =	shalt  }
0x7f: {  	_ =	shalt  }
0x80: {  	_ =	shalt  }
0x81: {  	_ =	shalt  }
0x82: {  	_ =	shalt  }
0x83: {  	_ =	shalt  }
0x84: {  	_ =	shalt  }
0x85: {  	_ =	shalt  }
0x86: {  	_ =	shalt  }
0x87: {  	_ =	shalt  }
.Lfunc_end0:
.L_simem_size_0:
called_computation_lowered:
.L_overlay_start_0:
0x88: {  	s2 =	sld [smem:$0x3FD9]  }
0x89: {  	s3 =	sld [smem:$0x3FFE];
	_ =	sdelay $0x1  }
0x8a: {  	s1 =	srdreg.scid  }
0x8b: {  	s0 =	sand.u32 $0x1, s1  }
0x8c: {  	s17 =	sshll.u32 s0, $0xA;
	s2 =	sadd.s32 s3, s2  }
0x8d: {  	s2 =	sadd.s32 s2, s17  }
0x8e: {  	[smem:$0x3FC6] =	sst s2  }
0x8f: {  	_ = 	snop  }
0x90: {  	s2 =	sld [smem:$0x3FC8]  }
0x91: {  	s18 =	sld [smem:$0x3FD0];
	(tm) =	ssettm $0x1  }
0x92: {  	s4 =	sld [smem:$0x3FFB];
	_ =	sdelay $0x3  }
0x93: {  	_ =	strace s4  }
0x94: {  	s4 =	sld [smem:$0x3FFC];
	_ =	sdelay $0x3  }
0x95: {  	_ =	strace s4  }
0x96: {  	s4 =	sld [smem:$0x3FFD];
	_ =	sdelay $0x3  }
0x97: {  	_ =	strace s4  }
0x98: {  	_ =	strace $0x8FFFFFFF  }
0x99: {  	s19 =	sld [smem:$0x3FDB];
	_ =	sdelay $0x1  }
0x9a: {  	s5 =	simm.s32 $_scs_section_size  }
0x9b: {  	s6 =	simm.s32 $_size__tile_overlayer_lowered;
	s7 =	simm.s32 $_tile_overlayer_lowered  }
0x9c: {  	s22 =	simm.s32 $0x1BFF;
	s21 =	sshll.u32 s7, $0x1;
	s4 =	sadd.s32 s5, s19  }
0x9d: {  	s8 =	simm.s32 $0x0;
	s20 =	sshll.u32 s6, $0x1;
	s6 =	sadd.s32 s21, s4  }
0x9e: {  	[timem:s8], [sflag:s22] =	dma.local [hbm:s6], s20  }
0x9f: {  	_ =	swait.ge [sflag:s22], s20  }
0xa0: {  	s5 =	ssub.s32 $0x0, s20;
	[sflag:s22] =	ssyncset.done $0x0  }
0xa1: {  	[sflag:s22] =	ssyncadd.s32 s5;
	_ =	sdelay $0x1  }
0xa2: {  	s23 =	simm.s32 $0x1B8B  }
0xa3: {  	_ =	swait.ge [sflag:s23], $0x1  }
0xa4: {  	[sflag:s23] =	ssyncset.done $0x0  }
0xa5: {  	s25 =	simm.s32 $0x1B8E;
	s24 =	sld [smem:$0x3FFE];
	[sflag:s23] =	ssyncadd.s32 $0xFFFFFFFF  }
0xa6: {  	s26 =	simm.s32 $execute0_lowered;
	[smem:$0x3FD2] =	sst s25  }
0xa7: {  	s6 =	sshll.u32 s26, $0x1;
	_ =	strace $0x80000046;
	[dreg:$0x1] =	wrdreg $0xFFFFFFFF  }
0xa8: {  	s28 =	simm.s32 $_size_execute0_lowered;
	s4 =	sadd.s32 s4, s6;
	[dreg:$0x0] =	wrdreg $0x0  }
0xa9: {  	s6 =	sshll.u32 s28, $0x1;
	[dreg:$0x2] =	wrdreg s4  }
0xaa: {  	[dreg:$0x3] =	wrdreg s6  }
0xab: {  	[dreg:$0x4] =	wrdreg $0xC0  }
0xac: {  	_ =	task [dreg:s8], $0x5FFFF  }
0xad: {  	[dreg:$0x1] =	wrdreg $0xFFFFFFFF  }
0xae: {  	[dreg:$0x0] =	wrdreg $0x60  }
0xaf: {  	[dreg:$0x2] =	wrdreg s24  }
0xb0: {  	[dreg:$0x3] =	wrdreg s2  }
0xb1: {  	[dreg:$0x4] =	wrdreg s18  }
0xb2: {  	[dreg:$0x5] =	wrdreg $0x12C000  }
0xb3: {  	[dreg:$0x6] =	wrdreg $0x190000  }
0xb4: {  	[dreg:$0x7] =	wrdreg $0x9  }
0xb5: {  	_ =	task.clear_ibuf [dreg:s8], $0x8FFFF;
	_ =	strace $0x90000046  }
0xb6: {  	s29 =	simm.s32 $0x9;
	_ =	strace $0x80000048  }
0xb7: {  	_ =	swait.ge [sflag:s29], $0x1  }
0xb8: {  	[sflag:s29] =	ssyncadd.s32 $0xFFFFFFFF  }
0xb9: {  	_ =	strace $0x90000048  }
0xba: {  	_ =	sfence  }
0xbb: {  	s30 =	sld [smem:$0x0];
	_ =	sdelay $0x2  }
0xbc: {  	s31 =	sshll.u32 s1, $0xD;
	s1 =	sshrl.u32 s1, $0x2  }
0xbd: {  	s3 =	sand.u32 $0x4000, s31;
	s1 =	sadd.s32 s1, s30  }
0xbe: {  	s0 =	sor.u32 s3, s0;
	s1 =	sshll.u32 s1, $0x11  }
0xbf: {  	s0 =	sor.u32 s1, s0  }
0xc0: {  	s0 =	sadd.s32 $0x8F2B, s0  }
0xc1: {  	[sflag:s0] =	ssyncadd.remote.s32 $0x1  }
0xc2: {  	_ =	sfence.sel $0xFFFF  }
0xc3: {  	[dreg:$0x0] =	wrdreg $0xFFFFFFFF;
	(pc) =	sbr.abs _section_cstart, $3  }
0xc4: {  	[dreg:$0x1] =	wrdreg $0xFFFFFFFF  }
0xc5: {  	_ =	task.clear_ibuf [dreg:s8], $0x2FFFF;
	_ =	strace $0x9FFFFFFF  }
0xc6: {  	(tm) =	ssettm $0x7FFFFFFF  }
0xc7: {  	_ =	shalt  }
tec
execute0_lowered:
.L_overlay_start_1:
0x0: {  	(tag) =	ssettag $0x1  }
0x1: {  	s4 =	rddreg [dreg:$0x0]  }
0x2: {  	s1 =	rddreg [dreg:$0x1]  }
0x3: {  	s8 =	rddreg [dreg:$0x2]  }
0x4: {  	s5 =	rddreg [dreg:$0x3]  }
0x5: {  	s2 =	srdreg.scid;
	s0 =	stileid.u32  }
0x6: {  	s6 =	rddreg [dreg:$0x4];
	s3 =	simm.s32 $0x0;
	s14 =	simm.s32 $0x6400  }
0x7: {  	s15 =	simm.s32 $0xC800;
	s16 =	simm.s32 $0x1;
	s19 =	simm.s32 $0x190  }
0x8: {  	s20 =	simm.s32 $0x2;
	s23 =	simm.s32 $0x3;
	s24 =	simm.s32 $0x4  }
0x9: {  	s25 =	simm.s32 $0x0;
	s7 =	sand.u32 $0x1, s2;
	s11 =	smul.u32 $0x6400, s0  }
0xa: {  	s9 =	sshll.u32 s0, $0x1;
	[smem:$0x7FF] =	sst s3;
	s13 =	smul.u32 $0xC8000, s0  }
0xb: {  	s21 =	sshll.u32 s0, $0x6;
	s9 =	sor.u32 s7, s9;
	s30 =	smul.u32 $0x64000, s7  }
0xc: {  	_ =	strace $0x80000047;
	s12 =	ssub.s32 $0x2, s7;
	s10 =	smul.u32 $0x6400, s9  }
0xd: {  	s17 =	sor.u32 $0x1C03, s21;
	s21 =	sor.u32 $0x1C04, s21;
	s9 =	smul.u32 $0x64000, s9  }
0xe: {  	s29 =	sshrl.u32 s12, $0x1;
	s5 =	sadd.s32 s11, s5;
	s31 =	sadd.s32 s13, s8  }
0xf: {  	s6 =	sadd.s32 s11, s6;
	s13 =	simm.s32 $0xC8;
	s11 =	sadd.s32 s30, s31  }
0x10: {  	s18 =	sshrl.u32 s5, $0x3;
	s22 =	sshrl.u32 s6, $0x3;
	s10 =	sshrl.u32 s10, $0x3  }
0x11: {  	s8 =	sadd.s32 s8, s9;
	s11 =	sadd.s32 $0x2580, s11;
	s4 =	sadd.s32 s10, s4  }
0x12: {  	s10 =	ssub.s32 s12, s29;
	s9 =	sadd.s32 $0xC80, s8;
	s12 =	simm.s32 $0x5  }
0x13: {  	s4 =	sadd.s32 $0x400, s4;
	s7 =	smax.u32 s10, $0x1;
	s10 =	sadd.s32 $0x62700, s8  }
.LBB2_1:
0x14: {  	[tilespmem:s3], [sflag:$0x5] =	stream.linear.gather [hbm4b:s4+s3], $0x6400, $0x38;
	[tilespmem:$0x1F400] =	vst v63  }
0x15: {  	_ =	swait.ge [sflag:s12], $0x6400  }
0x16: {  	[sflag:s12] =	ssyncset.done $0x0  }
0x17: {  	[sflag:s12] =	ssyncadd.s32 $0xFFFF9C00  }
0x18: {  	[tilespmem:s14], [sflag:$0x1] =	stream.indirect.gather [hbm4b:s1+s13], $0x80, s3, s13, $0xb8;
	[tilespmem:$0x1F400] =	vst v63  }
0x19: {  	_ = 	snop  }
0x1a: {  	[tilespmem:s15], [sflag:$0x2] =	stream.indirect.gather [hbm4b:s1+s13], $0x80, s13, s13, $0xb8;
	[tilespmem:$0x1F400] =	vst v63  }
0x1b: {  	_ =	swait.ge [sflag:s16], $0x6400  }
0x1c: {  	[sflag:s16] =	ssyncset.done $0x0  }
0x1d: {  	[sflag:s16] =	ssyncadd.s32 $0xFFFF9C00  }
0x1e: {  	[spmem:s5] =	stream.linear.scatter [tilespmem:s14], [sflag:$0x5], $0x6400, $0x38;
	[tilespmem:$0x1F400] =	vst v63  }
0x1f: {  	_ =	swait.ge [sflag:s12], $0x6400  }
0x20: {  	[sflag:s12] =	ssyncset.done $0x0  }
0x21: {  	[sflag:s12] =	ssyncadd.s32 $0xFFFF9C00  }
0x22: {  	[hbm:s8], [sflag:s17] =	dma.local [spmem:s18], $0xC80  }
0x23: {  	[tilespmem:s14], [sflag:$0x1] =	stream.indirect.gather [hbm4b:s1+s13], $0x80, s19, s13, $0xb8;
	[tilespmem:$0x1F400] =	vst v63  }
0x24: {  	_ =	swait.ge [sflag:s20], $0x6400  }
0x25: {  	[sflag:s20] =	ssyncset.done $0x0  }
0x26: {  	[sflag:s20] =	ssyncadd.s32 $0xFFFF9C00  }
0x27: {  	[spmem:s6] =	stream.linear.scatter [tilespmem:s15], [sflag:$0x5], $0x6400, $0x38;
	[tilespmem:$0x1F400] =	vst v63  }
0x28: {  	_ =	swait.ge [sflag:s12], $0x6400  }
0x29: {  	[sflag:s12] =	ssyncset.done $0x0  }
0x2a: {  	s26 =	simm.s32 $0x258;
	[sflag:s12] =	ssyncadd.s32 $0xFFFF9C00  }
0x2b: {  	[hbm:s9], [sflag:s21] =	dma.local [spmem:s22], $0xC80  }
0x2c: {  	[tilespmem:s15], [sflag:$0x2] =	stream.indirect.gather [hbm4b:s1+s13], $0x80, s26, s13, $0xb8;
	[tilespmem:$0x1F400] =	vst v63  }
0x2d: {  	_ =	swait.ge [sflag:s16], $0x6400  }
0x2e: {  	[sflag:s16] =	ssyncset.done $0x0  }
0x2f: {  	[sflag:s16] =	ssyncadd.s32 $0xFFFF9C00  }
0x30: {  	_ =	swait.ge [sflag:s23], $0xC80  }
0x31: {  	[sflag:s23] =	ssyncset.done $0x0  }
0x32: {  	[sflag:s23] =	ssyncadd.s32 $0xFFFFF380  }
0x33: {  	[spmem:s5] =	stream.linear.scatter [tilespmem:s14], [sflag:$0x5], $0x6400, $0x38;
	[tilespmem:$0x1F400] =	vst v63  }
0x34: {  	_ =	swait.ge [sflag:s12], $0x6400  }
0x35: {  	[sflag:s12] =	ssyncset.done $0x0  }
0x36: {  	s31 =	sadd.s32 $0xFFFFF380, s11;
	s28 =	simm.s32 $0x320;
	[sflag:s12] =	ssyncadd.s32 $0xFFFF9C00  }
0x37: {  	[hbm:s31], [sflag:s17] =	dma.local [spmem:s18], $0xC80  }
0x38: {  	[tilespmem:s14], [sflag:$0x1] =	stream.indirect.gather [hbm4b:s1+s13], $0x80, s28, s13, $0xb8;
	[tilespmem:$0x1F400] =	vst v63  }
0x39: {  	_ =	swait.ge [sflag:s20], $0x6400  }
0x3a: {  	[sflag:s20] =	ssyncset.done $0x0  }
0x3b: {  	[sflag:s20] =	ssyncadd.s32 $0xFFFF9C00  }
0x3c: {  	_ =	swait.ge [sflag:s24], $0xC80  }
0x3d: {  	[sflag:s24] =	ssyncset.done $0x0  }
0x3e: {  	[sflag:s24] =	ssyncadd.s32 $0xFFFFF380  }
0x3f: {  	[spmem:s6] =	stream.linear.scatter [tilespmem:s15], [sflag:$0x5], $0x6400, $0x38;
	[tilespmem:$0x1F400] =	vst v63  }
0x40: {  	s30 =	simm.s32 $0x190;
	s29 =	smov.u32 s11;
	_ =	swait.ge [sflag:s12], $0x6400  }
0x41: {  	s26 =	sadd.s32 $0x1900, s11;
	s28 =	simm.s32 $0xC80;
	[sflag:s12] =	ssyncset.done $0x0  }
.LBB2_2:
0x42: {  	s31 =	sadd.s32 $0x258, s30  }
0x43: {  	[sflag:s12] =	ssyncadd.s32 $0xFFFF9C00;
	s2 =	smov.u32 s28;
	s28 =	sadd.s32 $0x640, s28  }
0x44: {  	[hbm:s29], [sflag:s21] =	dma.local [spmem:s22], $0xC80  }
0x45: {  	[tilespmem:s15], [sflag:$0x2] =	stream.indirect.gather [hbm4b:s1+s13], $0x80, s31, s13, $0xb8;
	[tilespmem:$0x1F400] =	vst v63  }
0x46: {  	p0 =	sne.s32 s28, $0x18380;
	s29 =	smov.u32 s26;
	_ =	swait.ge [sflag:s16], $0x6400  }
0x47: {  	[sflag:s16] =	ssyncset.done $0x0  }
0x48: {  	[sflag:s16] =	ssyncadd.s32 $0xFFFF9C00  }
0x49: {  	_ =	swait.ge [sflag:s23], $0xC80  }
0x4a: {  	[sflag:s23] =	ssyncset.done $0x0  }
0x4b: {  	[sflag:s23] =	ssyncadd.s32 $0xFFFFF380  }
0x4c: {  	[spmem:s5] =	stream.linear.scatter [tilespmem:s14], [sflag:$0x5], $0x6400, $0x38;
	[tilespmem:$0x1F400] =	vst v63  }
0x4d: {  	_ =	swait.ge [sflag:s12], $0x6400  }
0x4e: {  	[sflag:s12] =	ssyncset.done $0x0  }
0x4f: {  	s30 =	sadd.s32 $0x320, s30;
	s31 =	sadd.s32 $0xFFFFF380, s26;
	[sflag:s12] =	ssyncadd.s32 $0xFFFF9C00  }
0x50: {  	[hbm:s31], [sflag:s17] =	dma.local [spmem:s18], $0xC80  }
0x51: {  	[tilespmem:s14], [sflag:$0x1] =	stream.indirect.gather [hbm4b:s1+s13], $0x80, s30, s13, $0xb8;
	[tilespmem:$0x1F400] =	vst v63  }
0x52: {  	_ =	swait.ge [sflag:s20], $0x6400  }
0x53: {  	[sflag:s20] =	ssyncset.done $0x0  }
0x54: {  	[sflag:s20] =	ssyncadd.s32 $0xFFFF9C00  }
0x55: {  	_ =	swait.ge [sflag:s24], $0xC80  }
.Ltmp0:
0x56: {  	[sflag:s24] =	ssyncset.done $0x0;
	(pc) =	sbr.rel @p0 .LBB2_2-.Ltmp0, $4  }
0x57: {  	[sflag:s24] =	ssyncadd.s32 $0xFFFFF380  }
0x58: {  	[spmem:s6] =	stream.linear.scatter [tilespmem:s15], [sflag:$0x5], $0x6400, $0x38;
	[tilespmem:$0x1F400] =	vst v63  }
0x59: {  	_ =	swait.ge [sflag:s12], $0x6400  }
0x5a: {  	s26 =	sadd.s32 $0x1900, s26;
	s30 =	sshra.s32 s2, $0x2;
	[sflag:s12] =	ssyncset.done $0x0  }
0x5b: {  	s2 =	sadd.s32 $0x258, s30;
	[sflag:s12] =	ssyncadd.s32 $0xFFFF9C00  }
0x5c: {  	[hbm:s29], [sflag:s21] =	dma.local [spmem:s22], $0xC80  }
0x5d: {  	[tilespmem:s15], [sflag:$0x2] =	stream.indirect.gather [hbm4b:s1+s13], $0x80, s2, s13, $0xb8;
	[tilespmem:$0x1F400] =	vst v63  }
0x5e: {  	_ =	swait.ge [sflag:s16], $0x6400  }
0x5f: {  	[sflag:s16] =	ssyncset.done $0x0  }
0x60: {  	[sflag:s16] =	ssyncadd.s32 $0xFFFF9C00  }
0x61: {  	_ =	swait.ge [sflag:s23], $0xC80  }
0x62: {  	[sflag:s23] =	ssyncset.done $0x0  }
0x63: {  	[sflag:s23] =	ssyncadd.s32 $0xFFFFF380  }
0x64: {  	[spmem:s5] =	stream.linear.scatter [tilespmem:s14], [sflag:$0x5], $0x6400, $0x38;
	[tilespmem:$0x1F400] =	vst v63  }
0x65: {  	_ =	swait.ge [sflag:s12], $0x6400  }
0x66: {  	[sflag:s12] =	ssyncset.done $0x0  }
0x67: {  	s31 =	sadd.s32 $0x320, s30;
	s2 =	sadd.s32 $0xFFFFF380, s26;
	[sflag:s12] =	ssyncadd.s32 $0xFFFF9C00  }
0x68: {  	[hbm:s2], [sflag:s17] =	dma.local [spmem:s18], $0xC80  }
0x69: {  	[tilespmem:s14], [sflag:$0x1] =	stream.indirect.gather [hbm4b:s1+s13], $0x80, s31, s13, $0xb8;
	[tilespmem:$0x1F400] =	vst v63  }
0x6a: {  	_ =	swait.ge [sflag:s20], $0x6400  }
0x6b: {  	[sflag:s20] =	ssyncset.done $0x0  }
0x6c: {  	[sflag:s20] =	ssyncadd.s32 $0xFFFF9C00  }
0x6d: {  	_ =	swait.ge [sflag:s24], $0xC80  }
0x6e: {  	[sflag:s24] =	ssyncset.done $0x0  }
0x6f: {  	[sflag:s24] =	ssyncadd.s32 $0xFFFFF380  }
0x70: {  	[spmem:s6] =	stream.linear.scatter [tilespmem:s15], [sflag:$0x5], $0x6400, $0x38;
	[tilespmem:$0x1F400] =	vst v63  }
0x71: {  	_ =	swait.ge [sflag:s12], $0x6400  }
0x72: {  	s30 =	sshra.s32 s28, $0x2;
	[sflag:s12] =	ssyncset.done $0x0  }
0x73: {  	s2 =	sadd.s32 $0x258, s30;
	[sflag:s12] =	ssyncadd.s32 $0xFFFF9C00  }
0x74: {  	[hbm:s26], [sflag:s21] =	dma.local [spmem:s22], $0xC80  }
0x75: {  	[tilespmem:s15], [sflag:$0x2] =	stream.indirect.gather [hbm4b:s1+s13], $0x80, s2, s13, $0xb8;
	[tilespmem:$0x1F400] =	vst v63  }
0x76: {  	_ =	swait.ge [sflag:s16], $0x6400  }
0x77: {  	[sflag:s16] =	ssyncset.done $0x0  }
0x78: {  	[sflag:s16] =	ssyncadd.s32 $0xFFFF9C00  }
0x79: {  	_ =	swait.ge [sflag:s23], $0xC80  }
0x7a: {  	[sflag:s23] =	ssyncset.done $0x0  }
0x7b: {  	[sflag:s23] =	ssyncadd.s32 $0xFFFFF380  }
0x7c: {  	[spmem:s5] =	stream.linear.scatter [tilespmem:s14], [sflag:$0x5], $0x6400, $0x38;
	[tilespmem:$0x1F400] =	vst v63  }
0x7d: {  	_ =	swait.ge [sflag:s12], $0x6400  }
0x7e: {  	[sflag:s12] =	ssyncset.done $0x0  }
0x7f: {  	[sflag:s12] =	ssyncadd.s32 $0xFFFF9C00  }
0x80: {  	[hbm:s10], [sflag:s17] =	dma.local [spmem:s18], $0xC80  }
0x81: {  	_ =	swait.ge [sflag:s20], $0x6400  }
0x82: {  	[sflag:s20] =	ssyncset.done $0x0  }
0x83: {  	[sflag:s20] =	ssyncadd.s32 $0xFFFF9C00  }
0x84: {  	_ =	swait.ge [sflag:s24], $0xC80  }
0x85: {  	[sflag:s24] =	ssyncset.done $0x0  }
0x86: {  	[sflag:s24] =	ssyncadd.s32 $0xFFFFF380  }
0x87: {  	[spmem:s6] =	stream.linear.scatter [tilespmem:s15], [sflag:$0x5], $0x6400, $0x38;
	[tilespmem:$0x1F400] =	vst v63  }
0x88: {  	_ =	swait.ge [sflag:s12], $0x6400  }
0x89: {  	[sflag:s12] =	ssyncset.done $0x0  }
0x8a: {  	s25 =	sadd.s32 $0x1, s25;
	s31 =	sadd.s32 $0x1900, s26;
	[sflag:s12] =	ssyncadd.s32 $0xFFFF9C00  }
0x8b: {  	[hbm:s31], [sflag:s21] =	dma.local [spmem:s22], $0xC80  }
0x8c: {  	p0 =	sne.s32 s25, s7;
	_ =	swait.ge [sflag:s23], $0xC80  }
.Ltmp1:
0x8d: {  	[sflag:s23] =	ssyncset.done $0x0;
	(pc) =	sbr.rel @p0 .LBB2_1-.Ltmp1, $4  }
0x8e: {  	[sflag:s23] =	ssyncadd.s32 $0xFFFFF380  }
0x8f: {  	_ =	swait.ge [sflag:s24], $0xC80  }
0x90: {  	[sflag:s24] =	ssyncset.done $0x0  }
0x91: {  	[sflag:s24] =	ssyncadd.s32 $0xFFFFF380  }
0x92: {  	_ =	sfence.sel $0x180000  }
0x93: {  	[bflag:$0x0] =	sbarrier.arrive $0xFFFF  }
0x94: {  	_ =	strace $0x90000047  }
0x95: {  	[bflag:$0x2] =	sbarrier.arrive $0xFFFF  }
0x96: {  	p0 =	sne.s32 s0, $0x0;
	s0 =	rddreg [dreg:$0x5]  }
0x97: {  	s0 =	sadd.s32 @!p0 $0x100000, s0  }
0x98: {  	[sflag:s0] =	ssyncadd.tile.s32 @!p0 $0x1;
	_ =	shalt  }
.Lfunc_end2:
_tile_overlayer_lowered:
.L_overlay_start_2:
0x99: {  	(tag) =	ssettag $0x2  }
0x9a: {  	s0 =	rddreg [dreg:$0x0];
	s2 =	stileid.u32  }
0x9b: {  	s1 =	rddreg [dreg:$0x1];
	p0 =	sne.s32 s2, $0x0  }
0x9c: {  	s3 =	rddreg [dreg:$0x2];
	[bflag:$0x3] =	sbarrier.arrive $0xFFFF;
	s2 =	simm.s32 @!p0 $0x1C05  }
0x9d: {  	[timem:s3], [sflag:s2] =	dma.local @!p0 [hbm:s0], s1  }
0x9e: {  	s0 =	simm.s32 @!p0 $0x5  }
0x9f: {  	_ =	swait.ge @!p0 [sflag:s0], s1  }
0xa0: {  	s1 =	ssub.s32 @!p0 $0x0, s1;
	[sflag:s0] =	ssyncset.done @!p0 $0x0  }
0xa1: {  	[sflag:s0] =	ssyncadd.s32 @!p0 s1  }
0xa2: {  	[bflag:$0x3] =	sbarrier.arrive $0xFFFF  }
0xa3: {  	_ =	shalt  }

</sc_bundles>
